<compile_context>
chip_gen: v7x
topology: tpu7x:2x2x1
jax: 0.10.2.dev20260603
libtpu: 0.0.44.dev20260713+nightly
codegen_flags: <defaults>
</compile_context>

<pallas_src>
import functools

import jax
import jax.numpy as jnp
from jax import lax
from jax.experimental import pallas as pl
from jax.experimental.pallas import tpu as pltpu
from jax.experimental.pallas import tpu_sc as plsc

IN_FEATURES = 512
NUM_CODEBOOKS = 2
NUM_CODEWORDS = 320
NCOL = NUM_CODEBOOKS * NUM_CODEWORDS
CODEWORD_DIM = 128
ROWS = 4 * 1024
BLK = 512
GRID = ROWS // BLK
IDR = NUM_CODEBOOKS * BLK // 128

NC, NS = 2, 16
NW = NC * NS
W_PER_G = NW // GRID
T_PER_CB = BLK // 256


def _tc_body(x_ref, w_ref, b_ref, ids_ref, perp_ref, counts_ref):
    pid = pl.program_id(0)

    @pl.when(pid == 0)
    def _init():
        counts_ref[...] = jnp.zeros_like(counts_ref)

    logits = (
        jnp.dot(x_ref[0], w_ref[...], preferred_element_type=jnp.float32)
        + b_ref[...].reshape(1, NCOL)
    )
    iota_b = lax.broadcasted_iota(jnp.int32, (BLK, NCOL), 1)
    big = jnp.int32(2**30)
    neg = jnp.float32(-1e30)
    mask0 = iota_b < NUM_CODEWORDS
    idxs = []
    for n in range(NUM_CODEBOOKS):
        mb = mask0 if n == 0 else jnp.logical_not(mask0)
        lm = jnp.where(mb, logits, neg)
        m = jnp.max(lm, axis=1, keepdims=True)
        cand = jnp.where(lm == m, iota_b, big)
        idxs.append(jnp.min(cand, axis=1, keepdims=True))
    onehot = ((iota_b == idxs[0]) | (iota_b == idxs[1])).astype(jnp.float32)
    counts_ref[...] += lax.dot_general(
        jnp.ones((1, BLK), jnp.float32),
        onehot,
        (((1,), (0,)), ((), ())),
        preferred_element_type=jnp.float32,
    )
    idx_lane = jnp.concatenate(idxs, axis=1).T
    pieces = [
        idx_lane[n : n + 1, 128 * k : 128 * (k + 1)]
        for n in range(NUM_CODEBOOKS)
        for k in range(BLK // 128)
    ]
    ids_ref[...] = jnp.concatenate(pieces, axis=0)

    @pl.when(pid == GRID - 1)
    def _fin():
        p = counts_ref[...] * (1.0 / ROWS)
        plogp = p * jnp.log(p + 1e-7)
        e0 = jnp.sum(plogp[:, :NUM_CODEWORDS])
        e1 = jnp.sum(plogp[:, NUM_CODEWORDS:])
        perp_ref[...] = jnp.broadcast_to(jnp.exp(-e0) + jnp.exp(-e1), (1, 1))


def _tc_stage(x, w, b_vec):
    return pl.pallas_call(
        _tc_body,
        grid=(GRID,),
        in_specs=[
            pl.BlockSpec(
                (1, BLK, IN_FEATURES),
                lambda i: (i // (1024 // BLK), i % (1024 // BLK), 0),
            ),
            pl.BlockSpec((IN_FEATURES, NCOL), lambda i: (0, 0)),
            pl.BlockSpec((NCOL,), lambda i: (0,)),
        ],
        out_specs=[
            pl.BlockSpec((IDR, 128), lambda i: (i, 0)),
            pl.BlockSpec((1, 1), lambda i: (0, 0)),
        ],
        out_shape=[
            jax.ShapeDtypeStruct((IDR * GRID, 128), jnp.int32),
            jax.ShapeDtypeStruct((1, 1), jnp.float32),
        ],
        scratch_shapes=[pltpu.VMEM((1, NCOL), jnp.float32)],
    )(x, w, b_vec)


@functools.lru_cache(maxsize=1)
def _make_sc_gather():
    @functools.partial(
        pl.kernel,
        mesh=plsc.VectorSubcoreMesh(core_axis_name="c", subcore_axis_name="s"),
        out_type=jax.ShapeDtypeStruct((ROWS, NUM_CODEBOOKS * CODEWORD_DIM), jnp.float32),
        scratch_types=[
            pltpu.VMEM((2, 128), jnp.int32),
            pltpu.VMEM((256, CODEWORD_DIM), jnp.float32),
            pltpu.SemaphoreType.DMA,
            pltpu.SemaphoreType.DMA,
        ],
    )
    def _sc_gather(table_hbm, idx_hbm, out_hbm, idx_v, rows_v, sem, wsem):
        wid = lax.axis_index("s") * NC + lax.axis_index("c")
        g = wid // W_PER_G
        q = wid % W_PER_G
        n = q // T_PER_CB
        t = q % T_PER_CB
        pltpu.sync_copy(
            idx_hbm.at[pl.ds(IDR * g + (IDR // 2) * n + 2 * t, 2)], idx_v
        )
        row0 = BLK * g + 256 * t
        col = 128 * n
        gathers = [
            pltpu.async_copy(
                table_hbm.at[idx_v.at[j]], rows_v.at[pl.ds(j * 128, 128)], sem
            )
            for j in range(2)
        ]
        writes = []
        for j in range(2):
            gathers[j].wait()
            writes.append(
                pltpu.async_copy(
                    rows_v.at[pl.ds(j * 128, 128)],
                    out_hbm.at[pl.ds(row0 + j * 128, 128), pl.ds(col, 128)],
                    wsem,
                )
            )
        for w in writes:
            w.wait()

    return _sc_gather


def kernel(x, codebooks, W, b):
    bsz, nf, _ = x.shape
    ids, perp = _tc_stage(x, W, b)
    table = codebooks.reshape(NCOL, CODEWORD_DIM)
    rows = _make_sc_gather()(table, ids)
    quantized = rows.reshape(bsz, nf, NUM_CODEBOOKS * CODEWORD_DIM)
    return quantized, perp.reshape(())

# --- scband reference (transcript-rebuilt; emitter-appended) ---
"""Pipeline reference for scband-quantization-module-68650757259605 (READ-ONLY COPY).

The authoritative reference and input builder live on the scoring server;
editing this copy changes nothing except your own understanding.
"""

import jax, jax.numpy as jnp
import numpy as np

IN_FEATURES = 512
D_MODEL = 256
NUM_CODEBOOKS = 2
NUM_CODEWORDS = 320
CODEWORD_DIM = D_MODEL // NUM_CODEBOOKS
BATCH = 4
NUM_FRAMES = 1024


def setup_inputs(seed: int = 0) -> dict:
    key = jax.random.key(seed)
    k1, k2, k3 = jax.random.split(key, 3)
    x = jax.random.normal(k1, (BATCH, NUM_FRAMES, IN_FEATURES), dtype=jnp.float32)
    # codebooks: (1, 1, num_codebooks, num_codewords, codeword_dim), xavier-uniform-like init
    limit = float(np.sqrt(6.0 / (NUM_CODEWORDS + CODEWORD_DIM)))
    codebooks = jax.random.uniform(k2, (1, 1, NUM_CODEBOOKS, NUM_CODEWORDS, CODEWORD_DIM), minval=-limit, maxval=limit, dtype=jnp.float32)
    # projection: Linear(in_features -> num_codebooks*num_codewords)
    wlim = float(1.0 / np.sqrt(IN_FEATURES))
    kW, kb = jax.random.split(k3)
    W = jax.random.uniform(kW, (IN_FEATURES, NUM_CODEBOOKS * NUM_CODEWORDS), minval=-wlim, maxval=wlim, dtype=jnp.float32)
    b = jax.random.uniform(kb, (NUM_CODEBOOKS * NUM_CODEWORDS,), minval=-wlim, maxval=wlim, dtype=jnp.float32)
    return {"x": x, "codebooks": codebooks, "W": W, "b": b}


def reference(x, codebooks, W, b):
    # eval-mode path (argmax hard assignment); mask is None
    bsz, nf, _ = x.shape
    logits = x @ W + b
    logits = logits.reshape(bsz, nf, NUM_CODEBOOKS, NUM_CODEWORDS)
    word_ids = jnp.argmax(logits, axis=-1)
    word_probs = jax.nn.one_hot(word_ids, NUM_CODEWORDS, dtype=logits.dtype)
    # perplexity on the hard one-hot probs (mask=None -> mean over b, nf)
    marginal_probs = jnp.mean(word_probs, axis=(0, 1))  # (nb, nw)
    perplexity = jnp.sum(jnp.exp(-jnp.sum(marginal_probs * jnp.log(marginal_probs + 1e-07), axis=-1)))
    # quantized = sum over nw of word_probs[..., None] * codebooks, then merge (nb, d)
    cb = codebooks[0, 0]  # (nb, nw, d)
    quantized = jnp.einsum('bfnw,nwd->bfnd', word_probs, cb)
    quantized = quantized.reshape(bsz, nf, NUM_CODEBOOKS * CODEWORD_DIM)
    return quantized, perplexity

if __name__ == "__main__":
    import jax
    _d = setup_inputs()
    print(jax.jit(kernel)(*tuple(_d.values())))

</pallas_src>

<mosaic_0001>
#map = affine_map<(d0, d1) -> (0, 0)>
module attributes {stable_mosaic.version = 14 : i64} {
  func.func @_sc_gather(%arg0: i32, %arg1: i32, %arg2: memref<640x128xf32, #tpu.memory_space<hbm>>, %arg3: memref<64x128xi32, #tpu.memory_space<hbm>>, %arg4: memref<4096x256xf32, #tpu.memory_space<hbm>>, %arg5: memref<2x128xi32, #tpu.memory_space<vmem>>, %arg6: memref<256x128xf32, #tpu.memory_space<vmem>>, %arg7: memref<!tpu.dma_semaphore, #tpu.memory_space<semaphore_mem>>, %arg8: memref<!tpu.dma_semaphore, #tpu.memory_space<semaphore_mem>>) attributes {dimension_semantics = [#tpu.dimension_semantics<core_parallel>, #tpu.dimension_semantics<subcore_parallel>], iteration_bounds = array<i64: 2, 16>, scalar_prefetch = 0 : i64, scratch_operands = 4 : i64, tpu.core_type = #tpu.core_type<sc_vector_subcore>, window_params = [{transform_indices = #map}, {transform_indices = #map}, {transform_indices = #map}]} {
    %mul3A = arith.constant 2 : i32
    %mul3A_0 = arith.muli %arg1, %mul3A : i32
    %add3A = arith.addi %mul3A_0, %arg0 : i32
    %jit3A = arith.constant 4 : i32
    %div3A = arith.divsi %add3A, %jit3A : i32
    %sign3A = arith.constant 0 : i32
    %sign3A_1 = arith.cmpi sgt, %add3A, %sign3A : i32
    %sign3A_2 = arith.extui %sign3A_1 : i1 to i32
    %sign3A_3 = arith.constant 0 : i32
    %sign3A_4 = arith.cmpi slt, %add3A, %sign3A_3 : i32
    %sign3A_5 = arith.extui %sign3A_4 : i1 to i32
    %sign3A_6 = arith.subi %sign3A_2, %sign3A_5 : i32
    %sign3A_7 = arith.constant 0 : i32
    %sign3A_8 = arith.cmpi sgt, %jit3A, %sign3A_7 : i32
    %sign3A_9 = arith.extui %sign3A_8 : i1 to i32
    %sign3A_10 = arith.constant 0 : i32
    %sign3A_11 = arith.cmpi slt, %jit3A, %sign3A_10 : i32
    %sign3A_12 = arith.extui %sign3A_11 : i1 to i32
    %sign3A_13 = arith.subi %sign3A_9, %sign3A_12 : i32
    %ne3A = arith.cmpi ne, %sign3A_6, %sign3A_13 : i32
    %rem3A = arith.remsi %add3A, %jit3A : i32
    %ne3A_14 = arith.constant 0 : i32
    %ne3A_15 = arith.cmpi ne, %rem3A, %ne3A_14 : i32
    %and3A = arith.andi %ne3A, %ne3A_15 : i1
    %sub3A = arith.constant 1 : i32
    %sub3A_16 = arith.subi %div3A, %sub3A : i32
    %select_n3A = arith.select %and3A, %sub3A_16, %div3A : i32
    %jit3A_17 = arith.constant 4 : i32
    %eq3A = arith.constant 0 : i32
    %eq3A_18 = arith.cmpi eq, %jit3A_17, %eq3A : i32
    %jit3A_19 = arith.constant 1 : i32
    %select_n3A_20 = arith.select %eq3A_18, %jit3A_19, %jit3A_17 : i32
    %rem3A_21 = arith.remsi %add3A, %select_n3A_20 : i32
    %ne3A_22 = arith.constant 0 : i32
    %ne3A_23 = arith.cmpi ne, %rem3A_21, %ne3A_22 : i32
    %lt3A = arith.constant 0 : i32
    %lt3A_24 = arith.cmpi slt, %rem3A_21, %lt3A : i32
    %lt3A_25 = arith.constant 0 : i32
    %lt3A_26 = arith.cmpi slt, %select_n3A_20, %lt3A_25 : i32
    %ne3A_27 = arith.xori %lt3A_24, %lt3A_26 : i1
    %and3A_28 = arith.andi %ne3A_27, %ne3A_23 : i1
    %add3A_29 = arith.addi %rem3A_21, %select_n3A_20 : i32
    %select_n3A_30 = arith.select %and3A_28, %add3A_29, %rem3A_21 : i32
    %jit3A_31 = arith.constant 2 : i32
    %div3A_32 = arith.divsi %select_n3A_30, %jit3A_31 : i32
    %sign3A_33 = arith.constant 0 : i32
    %sign3A_34 = arith.cmpi sgt, %select_n3A_30, %sign3A_33 : i32
    %sign3A_35 = arith.extui %sign3A_34 : i1 to i32
    %sign3A_36 = arith.constant 0 : i32
    %sign3A_37 = arith.cmpi slt, %select_n3A_30, %sign3A_36 : i32
    %sign3A_38 = arith.extui %sign3A_37 : i1 to i32
    %sign3A_39 = arith.subi %sign3A_35, %sign3A_38 : i32
    %sign3A_40 = arith.constant 0 : i32
    %sign3A_41 = arith.cmpi sgt, %jit3A_31, %sign3A_40 : i32
    %sign3A_42 = arith.extui %sign3A_41 : i1 to i32
    %sign3A_43 = arith.constant 0 : i32
    %sign3A_44 = arith.cmpi slt, %jit3A_31, %sign3A_43 : i32
    %sign3A_45 = arith.extui %sign3A_44 : i1 to i32
    %sign3A_46 = arith.subi %sign3A_42, %sign3A_45 : i32
    %ne3A_47 = arith.cmpi ne, %sign3A_39, %sign3A_46 : i32
    %rem3A_48 = arith.remsi %select_n3A_30, %jit3A_31 : i32
    %ne3A_49 = arith.constant 0 : i32
    %ne3A_50 = arith.cmpi ne, %rem3A_48, %ne3A_49 : i32
    %and3A_51 = arith.andi %ne3A_47, %ne3A_50 : i1
    %sub3A_52 = arith.constant 1 : i32
    %sub3A_53 = arith.subi %div3A_32, %sub3A_52 : i32
    %select_n3A_54 = arith.select %and3A_51, %sub3A_53, %div3A_32 : i32
    %jit3A_55 = arith.constant 2 : i32
    %eq3A_56 = arith.constant 0 : i32
    %eq3A_57 = arith.cmpi eq, %jit3A_55, %eq3A_56 : i32
    %jit3A_58 = arith.constant 1 : i32
    %select_n3A_59 = arith.select %eq3A_57, %jit3A_58, %jit3A_55 : i32
    %rem3A_60 = arith.remsi %select_n3A_30, %select_n3A_59 : i32
    %ne3A_61 = arith.constant 0 : i32
    %ne3A_62 = arith.cmpi ne, %rem3A_60, %ne3A_61 : i32
    %lt3A_63 = arith.constant 0 : i32
    %lt3A_64 = arith.cmpi slt, %rem3A_60, %lt3A_63 : i32
    %lt3A_65 = arith.constant 0 : i32
    %lt3A_66 = arith.cmpi slt, %select_n3A_59, %lt3A_65 : i32
    %ne3A_67 = arith.xori %lt3A_64, %lt3A_66 : i1
    %and3A_68 = arith.andi %ne3A_67, %ne3A_62 : i1
    %add3A_69 = arith.addi %rem3A_60, %select_n3A_59 : i32
    %select_n3A_70 = arith.select %and3A_68, %add3A_69, %rem3A_60 : i32
    %mul3A_71 = arith.constant 8 : i32
    %mul3A_72 = arith.muli %mul3A_71, %select_n3A : i32
    %mul3A_73 = arith.constant 4 : i32
    %mul3A_74 = arith.muli %mul3A_73, %select_n3A_54 : i32
    %add3A_75 = arith.addi %mul3A_72, %mul3A_74 : i32
    %mul3A_76 = arith.constant 2 : i32
    %mul3A_77 = arith.muli %mul3A_76, %select_n3A_70 : i32
    %add3A_78 = arith.addi %add3A_75, %mul3A_77 : i32
    "tpu.region"() ({
      %run_scoped3A = tpu.sem_alloc : memref<!tpu.dma_semaphore, #tpu.memory_space<semaphore_mem>>
      %dma_start3A_160 = arith.constant 0 : i32
      %dma_start3A_161 = tpu.memref_slice %arg3[%add3A_78, %dma_start3A_160] : memref<64x128xi32, #tpu.memory_space<hbm>> -> memref<2x128xi32, #tpu.memory_space<hbm>>
      %dma_start3A_162 = arith.constant 0 : i32
      %dma_start3A_163 = tpu.memref_slice %arg3[%add3A_78, %dma_start3A_162] : memref<64x128xi32, #tpu.memory_space<hbm>> -> memref<2x128xi32, #tpu.memory_space<hbm>>
      tpu.enqueue_dma source(%dma_start3A_163 : memref<2x128xi32, #tpu.memory_space<hbm>>) target(%arg5 : memref<2x128xi32, #tpu.memory_space<vmem>>) target_semaphore(%run_scoped3A : memref<!tpu.dma_semaphore, #tpu.memory_space<semaphore_mem>>)
      %dma_wait3A_164 = arith.constant 0 : i32
      %dma_wait3A_165 = tpu.memref_slice %arg3[%add3A_78, %dma_wait3A_164] : memref<64x128xi32, #tpu.memory_space<hbm>> -> memref<2x128xi32, #tpu.memory_space<hbm>>
      %dma_wait3A_166 = arith.constant 0 : i32
      %dma_wait3A_167 = tpu.memref_slice %arg3[%add3A_78, %dma_wait3A_166] : memref<64x128xi32, #tpu.memory_space<hbm>> -> memref<2x128xi32, #tpu.memory_space<hbm>>
      tpu.wait_dma2 semaphore(%run_scoped3A : memref<!tpu.dma_semaphore, #tpu.memory_space<semaphore_mem>>) src(%dma_wait3A_167 : memref<2x128xi32, #tpu.memory_space<hbm>>) dst(%arg5 : memref<2x128xi32, #tpu.memory_space<vmem>>)
      tpu.yield
    }) : () -> ()
    %mul3A_79 = arith.constant 512 : i32
    %mul3A_80 = arith.muli %mul3A_79, %select_n3A : i32
    %mul3A_81 = arith.constant 256 : i32
    %mul3A_82 = arith.muli %mul3A_81, %select_n3A_70 : i32
    %add3A_83 = arith.addi %mul3A_80, %mul3A_82 : i32
    %mul3A_84 = arith.constant 128 : i32
    %mul3A_85 = arith.muli %mul3A_84, %select_n3A_54 : i32
    %dma_start3A = arith.constant 0 : i32
    %dma_start3A_86 = arith.constant 0 : i32
    %dma_start3A_87 = arith.constant 0 : i32
    %dma_start3A_88 = tpu.memref_slice %arg6[%dma_start3A_86, %dma_start3A_87] : memref<256x128xf32, #tpu.memory_space<vmem>> -> memref<128x128xf32, #tpu.memory_space<vmem>>
    %dma_start3A_89 = arith.constant 0 : i32
    %dma_start3A_90 = tpu.memref_slice %arg5[%dma_start3A, %dma_start3A_89] : memref<2x128xi32, #tpu.memory_space<vmem>> -> memref<1x128xi32, #tpu.memory_space<vmem>>
    %dma_start3A_91 = tpu.memref_squeeze %dma_start3A_90 : memref<1x128xi32, #tpu.memory_space<vmem>> -> memref<128xi32, #tpu.memory_space<vmem>>
    %dma_start3A_92 = arith.constant 0 : i32
    %dma_start3A_93 = arith.constant 0 : i32
    %dma_start3A_94 = tpu.memref_slice %arg2[%dma_start3A_92, %dma_start3A_93] : memref<640x128xf32, #tpu.memory_space<hbm>> -> memref<640x128xf32, #tpu.memory_space<hbm>>
    tpu.enqueue_indirect_dma source(%dma_start3A_94 : memref<640x128xf32, #tpu.memory_space<hbm>>) target(%dma_start3A_88 : memref<128x128xf32, #tpu.memory_space<vmem>>) offsets(%dma_start3A_91 : memref<128xi32, #tpu.memory_space<vmem>>) semaphore(%arg7 : memref<!tpu.dma_semaphore, #tpu.memory_space<semaphore_mem>>)
    %dma_start3A_95 = arith.constant 1 : i32
    %dma_start3A_96 = arith.constant 128 : i32
    %dma_start3A_97 = arith.constant 0 : i32
    %dma_start3A_98 = tpu.memref_slice %arg6[%dma_start3A_96, %dma_start3A_97] : memref<256x128xf32, #tpu.memory_space<vmem>> -> memref<128x128xf32, #tpu.memory_space<vmem>>
    %dma_start3A_99 = arith.constant 0 : i32
    %dma_start3A_100 = tpu.memref_slice %arg5[%dma_start3A_95, %dma_start3A_99] : memref<2x128xi32, #tpu.memory_space<vmem>> -> memref<1x128xi32, #tpu.memory_space<vmem>>
    %dma_start3A_101 = tpu.memref_squeeze %dma_start3A_100 : memref<1x128xi32, #tpu.memory_space<vmem>> -> memref<128xi32, #tpu.memory_space<vmem>>
    %dma_start3A_102 = arith.constant 0 : i32
    %dma_start3A_103 = arith.constant 0 : i32
    %dma_start3A_104 = tpu.memref_slice %arg2[%dma_start3A_102, %dma_start3A_103] : memref<640x128xf32, #tpu.memory_space<hbm>> -> memref<640x128xf32, #tpu.memory_space<hbm>>
    tpu.enqueue_indirect_dma source(%dma_start3A_104 : memref<640x128xf32, #tpu.memory_space<hbm>>) target(%dma_start3A_98 : memref<128x128xf32, #tpu.memory_space<vmem>>) offsets(%dma_start3A_101 : memref<128xi32, #tpu.memory_space<vmem>>) semaphore(%arg7 : memref<!tpu.dma_semaphore, #tpu.memory_space<semaphore_mem>>)
    %dma_wait3A = arith.constant 0 : i32
    %dma_wait3A_105 = arith.constant 0 : i32
    %dma_wait3A_106 = arith.constant 0 : i32
    %dma_wait3A_107 = tpu.memref_slice %arg6[%dma_wait3A_105, %dma_wait3A_106] : memref<256x128xf32, #tpu.memory_space<vmem>> -> memref<128x128xf32, #tpu.memory_space<vmem>>
    %dma_wait3A_108 = arith.constant 0 : i32
    %dma_wait3A_109 = tpu.memref_slice %arg5[%dma_wait3A, %dma_wait3A_108] : memref<2x128xi32, #tpu.memory_space<vmem>> -> memref<1x128xi32, #tpu.memory_space<vmem>>
    %dma_wait3A_110 = tpu.memref_squeeze %dma_wait3A_109 : memref<1x128xi32, #tpu.memory_space<vmem>> -> memref<128xi32, #tpu.memory_space<vmem>>
    %dma_wait3A_111 = arith.constant 0 : i32
    %dma_wait3A_112 = arith.constant 0 : i32
    %dma_wait3A_113 = tpu.memref_slice %arg2[%dma_wait3A_111, %dma_wait3A_112] : memref<640x128xf32, #tpu.memory_space<hbm>> -> memref<640x128xf32, #tpu.memory_space<hbm>>
    tpu.wait_indirect_dma semaphore(%arg7 : memref<!tpu.dma_semaphore, #tpu.memory_space<semaphore_mem>>) src(%dma_wait3A_113 : memref<640x128xf32, #tpu.memory_space<hbm>>) dst(%dma_wait3A_107 : memref<128x128xf32, #tpu.memory_space<vmem>>)
    %add3A_114 = arith.constant 0 : i32
    %add3A_115 = arith.addi %add3A_83, %add3A_114 : i32
    %dma_start3A_116 = arith.constant 0 : i32
    %dma_start3A_117 = arith.constant 0 : i32
    %dma_start3A_118 = tpu.memref_slice %arg6[%dma_start3A_116, %dma_start3A_117] : memref<256x128xf32, #tpu.memory_space<vmem>> -> memref<128x128xf32, #tpu.memory_space<vmem>>
    %dma_start3A_119 = tpu.memref_slice %arg4[%add3A_115, %mul3A_85] : memref<4096x256xf32, #tpu.memory_space<hbm>> -> memref<128x128xf32, #tpu.memory_space<hbm>>
    %dma_start3A_120 = tpu.memref_slice %arg4[%add3A_115, %mul3A_85] : memref<4096x256xf32, #tpu.memory_space<hbm>> -> memref<128x128xf32, #tpu.memory_space<hbm>>
    %dma_start3A_121 = arith.constant 0 : i32
    %dma_start3A_122 = arith.constant 0 : i32
    %dma_start3A_123 = tpu.memref_slice %arg6[%dma_start3A_121, %dma_start3A_122] : memref<256x128xf32, #tpu.memory_space<vmem>> -> memref<128x128xf32, #tpu.memory_space<vmem>>
    tpu.enqueue_dma source(%dma_start3A_123 : memref<128x128xf32, #tpu.memory_space<vmem>>) target(%dma_start3A_120 : memref<128x128xf32, #tpu.memory_space<hbm>>) target_semaphore(%arg8 : memref<!tpu.dma_semaphore, #tpu.memory_space<semaphore_mem>>)
    %dma_wait3A_124 = arith.constant 1 : i32
    %dma_wait3A_125 = arith.constant 128 : i32
    %dma_wait3A_126 = arith.constant 0 : i32
    %dma_wait3A_127 = tpu.memref_slice %arg6[%dma_wait3A_125, %dma_wait3A_126] : memref<256x128xf32, #tpu.memory_space<vmem>> -> memref<128x128xf32, #tpu.memory_space<vmem>>
    %dma_wait3A_128 = arith.constant 0 : i32
    %dma_wait3A_129 = tpu.memref_slice %arg5[%dma_wait3A_124, %dma_wait3A_128] : memref<2x128xi32, #tpu.memory_space<vmem>> -> memref<1x128xi32, #tpu.memory_space<vmem>>
    %dma_wait3A_130 = tpu.memref_squeeze %dma_wait3A_129 : memref<1x128xi32, #tpu.memory_space<vmem>> -> memref<128xi32, #tpu.memory_space<vmem>>
    %dma_wait3A_131 = arith.constant 0 : i32
    %dma_wait3A_132 = arith.constant 0 : i32
    %dma_wait3A_133 = tpu.memref_slice %arg2[%dma_wait3A_131, %dma_wait3A_132] : memref<640x128xf32, #tpu.memory_space<hbm>> -> memref<640x128xf32, #tpu.memory_space<hbm>>
    tpu.wait_indirect_dma semaphore(%arg7 : memref<!tpu.dma_semaphore, #tpu.memory_space<semaphore_mem>>) src(%dma_wait3A_133 : memref<640x128xf32, #tpu.memory_space<hbm>>) dst(%dma_wait3A_127 : memref<128x128xf32, #tpu.memory_space<vmem>>)
    %add3A_134 = arith.constant 128 : i32
    %add3A_135 = arith.addi %add3A_83, %add3A_134 : i32
    %dma_start3A_136 = arith.constant 128 : i32
    %dma_start3A_137 = arith.constant 0 : i32
    %dma_start3A_138 = tpu.memref_slice %arg6[%dma_start3A_136, %dma_start3A_137] : memref<256x128xf32, #tpu.memory_space<vmem>> -> memref<128x128xf32, #tpu.memory_space<vmem>>
    %dma_start3A_139 = tpu.memref_slice %arg4[%add3A_135, %mul3A_85] : memref<4096x256xf32, #tpu.memory_space<hbm>> -> memref<128x128xf32, #tpu.memory_space<hbm>>
    %dma_start3A_140 = tpu.memref_slice %arg4[%add3A_135, %mul3A_85] : memref<4096x256xf32, #tpu.memory_space<hbm>> -> memref<128x128xf32, #tpu.memory_space<hbm>>
    %dma_start3A_141 = arith.constant 128 : i32
    %dma_start3A_142 = arith.constant 0 : i32
    %dma_start3A_143 = tpu.memref_slice %arg6[%dma_start3A_141, %dma_start3A_142] : memref<256x128xf32, #tpu.memory_space<vmem>> -> memref<128x128xf32, #tpu.memory_space<vmem>>
    tpu.enqueue_dma source(%dma_start3A_143 : memref<128x128xf32, #tpu.memory_space<vmem>>) target(%dma_start3A_140 : memref<128x128xf32, #tpu.memory_space<hbm>>) target_semaphore(%arg8 : memref<!tpu.dma_semaphore, #tpu.memory_space<semaphore_mem>>)
    %dma_wait3A_144 = arith.constant 0 : i32
    %dma_wait3A_145 = arith.constant 0 : i32
    %dma_wait3A_146 = tpu.memref_slice %arg6[%dma_wait3A_144, %dma_wait3A_145] : memref<256x128xf32, #tpu.memory_space<vmem>> -> memref<128x128xf32, #tpu.memory_space<vmem>>
    %dma_wait3A_147 = tpu.memref_slice %arg4[%add3A_115, %mul3A_85] : memref<4096x256xf32, #tpu.memory_space<hbm>> -> memref<128x128xf32, #tpu.memory_space<hbm>>
    %dma_wait3A_148 = tpu.memref_slice %arg4[%add3A_115, %mul3A_85] : memref<4096x256xf32, #tpu.memory_space<hbm>> -> memref<128x128xf32, #tpu.memory_space<hbm>>
    %dma_wait3A_149 = arith.constant 0 : i32
    %dma_wait3A_150 = arith.constant 0 : i32
    %dma_wait3A_151 = tpu.memref_slice %arg6[%dma_wait3A_149, %dma_wait3A_150] : memref<256x128xf32, #tpu.memory_space<vmem>> -> memref<128x128xf32, #tpu.memory_space<vmem>>
    tpu.wait_dma2 semaphore(%arg8 : memref<!tpu.dma_semaphore, #tpu.memory_space<semaphore_mem>>) src(%dma_wait3A_151 : memref<128x128xf32, #tpu.memory_space<vmem>>) dst(%dma_wait3A_148 : memref<128x128xf32, #tpu.memory_space<hbm>>)
    %dma_wait3A_152 = arith.constant 128 : i32
    %dma_wait3A_153 = arith.constant 0 : i32
    %dma_wait3A_154 = tpu.memref_slice %arg6[%dma_wait3A_152, %dma_wait3A_153] : memref<256x128xf32, #tpu.memory_space<vmem>> -> memref<128x128xf32, #tpu.memory_space<vmem>>
    %dma_wait3A_155 = tpu.memref_slice %arg4[%add3A_135, %mul3A_85] : memref<4096x256xf32, #tpu.memory_space<hbm>> -> memref<128x128xf32, #tpu.memory_space<hbm>>
    %dma_wait3A_156 = tpu.memref_slice %arg4[%add3A_135, %mul3A_85] : memref<4096x256xf32, #tpu.memory_space<hbm>> -> memref<128x128xf32, #tpu.memory_space<hbm>>
    %dma_wait3A_157 = arith.constant 128 : i32
    %dma_wait3A_158 = arith.constant 0 : i32
    %dma_wait3A_159 = tpu.memref_slice %arg6[%dma_wait3A_157, %dma_wait3A_158] : memref<256x128xf32, #tpu.memory_space<vmem>> -> memref<128x128xf32, #tpu.memory_space<vmem>>
    tpu.wait_dma2 semaphore(%arg8 : memref<!tpu.dma_semaphore, #tpu.memory_space<semaphore_mem>>) src(%dma_wait3A_159 : memref<128x128xf32, #tpu.memory_space<vmem>>) dst(%dma_wait3A_156 : memref<128x128xf32, #tpu.memory_space<hbm>>)
    return
  }
}

module attributes {stable_mosaic.version = 14 : i64} {
  func.func @_tc_body(%arg0: i32, %arg1: memref<1x512x512xf32, #tpu.memory_space<vmem>>, %arg2: memref<512x640xf32, #tpu.memory_space<vmem>>, %arg3: memref<640xf32, #tpu.memory_space<vmem>>, %arg4: memref<8x128xi32, #tpu.memory_space<vmem>>, %arg5: memref<1x1xf32, #tpu.memory_space<vmem>>, %arg6: memref<1x640xf32, #tpu.memory_space<vmem>>) attributes {dimension_semantics = [#tpu.dimension_semantics<arbitrary>], iteration_bounds = array<i64: 8>, scalar_prefetch = 0 : i64, scratch_operands = 1 : i64, tpu.core_type = #tpu.core_type<tc>, window_params = [{transform_indices = @transform_0, window_bounds = array<i64: 1, 512, 512>}, {pipeline_mode = #tpu.pipeline_mode<synchronous>, transform_indices = @transform_1, window_bounds = array<i64: 512, 640>}, {pipeline_mode = #tpu.pipeline_mode<synchronous>, transform_indices = @transform_2, window_bounds = array<i64: 640>}, {transform_indices = @transform_3, window_bounds = array<i64: 8, 128>}, {pipeline_mode = #tpu.pipeline_mode<synchronous>, transform_indices = @transform_4, window_bounds = array<i64: 1, 1>}]} {
    %eq3A = arith.constant 0 : i32
    %eq3A_0 = arith.cmpi eq, %arg0, %eq3A : i32
    %convert_element_type3A = arith.extui %eq3A_0 : i1 to i32
    %cond3A = arith.constant 0 : i32
    %cond3A_1 = arith.cmpi ne, %convert_element_type3A, %cond3A : i32
    scf.if %cond3A_1 {
      %broadcast_in_dim3A_71 = arith.constant 0.000000e+00 : f32
      %broadcast_in_dim3A_72 = vector.broadcast %broadcast_in_dim3A_71 : f32 to vector<1x640xf32>
      %swap3A_73 = arith.constant 0 : index
      %swap3A_74 = arith.constant 0 : index
      %swap3A_75 = vector.load %arg6[%swap3A_73, %swap3A_74] : memref<1x640xf32, #tpu.memory_space<vmem>>, vector<1x640xf32>
      tpu.vector_store %arg6[%swap3A_73, %swap3A_74], %broadcast_in_dim3A_72 {strides = array<i32>} : memref<1x640xf32, #tpu.memory_space<vmem>>, vector<1x640xf32>,
    } else {
    }
    %get3A = arith.constant 0 : index
    %get3A_2 = arith.constant 0 : index
    %get3A_3 = arith.constant 0 : index
    %get3A_4 = vector.load %arg1[%get3A, %get3A_2, %get3A_3] : memref<1x512x512xf32, #tpu.memory_space<vmem>>, vector<1x512x512xf32>
    %get3A_5 = vector.shape_cast %get3A_4 : vector<1x512x512xf32> to vector<512x512xf32>
    %get3A_6 = arith.constant 0 : index
    %get3A_7 = arith.constant 0 : index
    %get3A_8 = vector.load %arg2[%get3A_6, %get3A_7] : memref<512x640xf32, #tpu.memory_space<vmem>>, vector<512x640xf32>
    %dot_general3A = arith.constant dense<0.000000e+00> : vector<512x640xf32>
    %dot_general3A_9 = tpu.matmul %get3A_5, %get3A_8, %dot_general3A {dimension_numbers = #tpu.dot_dimension_numbers<[1], [0], [0], [1], [0, 0, 1, 1], [], []>, transpose_lhs_hint = false} : vector<512x512xf32>, vector<512x640xf32>, vector<512x640xf32> -> vector<512x640xf32>
    %get3A_10 = arith.constant 0 : index
    %get3A_11 = vector.load %arg3[%get3A_10] : memref<640xf32, #tpu.memory_space<vmem>>, vector<640xf32>
    %reshape3A = vector.shape_cast %get3A_11 : vector<640xf32> to vector<1x640xf32>
    %add3A = vector.broadcast %reshape3A : vector<1x640xf32> to vector<512x640xf32>
    %add3A_12 = arith.addf %dot_general3A_9, %add3A : vector<512x640xf32>
    %iota3A = tpu.iota {dimensions = array<i32: 1>} : vector<512x640xi32>
    %lt3A = arith.constant 320 : i32
    %lt3A_13 = vector.broadcast %lt3A : i32 to vector<512x640xi32>
    %lt3A_14 = arith.cmpi slt, %iota3A, %lt3A_13 : vector<512x640xi32>
    %jit3A = arith.constant -1.000000e+30 : f32
    %broadcast_in_dim3A = vector.broadcast %jit3A : f32 to vector<512x640xf32>
    %select_n3A = arith.select %lt3A_14, %add3A_12, %broadcast_in_dim3A : vector<512x640xi1>, vector<512x640xf32>
    %reduce_max3A = arith.constant dense<0xFF800000> : vector<512xf32>
    %reduce_max3A_15 = vector.multi_reduction <maximumf>, %select_n3A, %reduce_max3A [1] : vector<512x640xf32> to vector<512xf32>
    %broadcast_in_dim3A_16 = vector.shape_cast %reduce_max3A_15 : vector<512xf32> to vector<512x1xf32>
    %eq3A_17 = vector.broadcast %broadcast_in_dim3A_16 : vector<512x1xf32> to vector<512x640xf32>
    %eq3A_18 = arith.cmpf oeq, %select_n3A, %eq3A_17 : vector<512x640xf32>
    %jit3A_19 = arith.constant 1073741824 : i32
    %broadcast_in_dim3A_20 = vector.broadcast %jit3A_19 : i32 to vector<512x640xi32>
    %select_n3A_21 = arith.select %eq3A_18, %iota3A, %broadcast_in_dim3A_20 : vector<512x640xi1>, vector<512x640xi32>
    %reduce_min3A = arith.constant dense<2147483647> : vector<512xi32>
    %reduce_min3A_22 = vector.multi_reduction <minsi>, %select_n3A_21, %reduce_min3A [1] : vector<512x640xi32> to vector<512xi32>
    %broadcast_in_dim3A_23 = vector.shape_cast %reduce_min3A_22 : vector<512xi32> to vector<512x1xi32>
    %not3A = arith.constant dense<true> : vector<512x640xi1>
    %not3A_24 = arith.xori %lt3A_14, %not3A : vector<512x640xi1>
    %jit3A_25 = arith.constant -1.000000e+30 : f32
    %broadcast_in_dim3A_26 = vector.broadcast %jit3A_25 : f32 to vector<512x640xf32>
    %select_n3A_27 = arith.select %not3A_24, %add3A_12, %broadcast_in_dim3A_26 : vector<512x640xi1>, vector<512x640xf32>
    %reduce_max3A_28 = arith.constant dense<0xFF800000> : vector<512xf32>
    %reduce_max3A_29 = vector.multi_reduction <maximumf>, %select_n3A_27, %reduce_max3A_28 [1] : vector<512x640xf32> to vector<512xf32>
    %broadcast_in_dim3A_30 = vector.shape_cast %reduce_max3A_29 : vector<512xf32> to vector<512x1xf32>
    %eq3A_31 = vector.broadcast %broadcast_in_dim3A_30 : vector<512x1xf32> to vector<512x640xf32>
    %eq3A_32 = arith.cmpf oeq, %select_n3A_27, %eq3A_31 : vector<512x640xf32>
    %jit3A_33 = arith.constant 1073741824 : i32
    %broadcast_in_dim3A_34 = vector.broadcast %jit3A_33 : i32 to vector<512x640xi32>
    %select_n3A_35 = arith.select %eq3A_32, %iota3A, %broadcast_in_dim3A_34 : vector<512x640xi1>, vector<512x640xi32>
    %reduce_min3A_36 = arith.constant dense<2147483647> : vector<512xi32>
    %reduce_min3A_37 = vector.multi_reduction <minsi>, %select_n3A_35, %reduce_min3A_36 [1] : vector<512x640xi32> to vector<512xi32>
    %broadcast_in_dim3A_38 = vector.shape_cast %reduce_min3A_37 : vector<512xi32> to vector<512x1xi32>
    %eq3A_39 = vector.broadcast %broadcast_in_dim3A_23 : vector<512x1xi32> to vector<512x640xi32>
    %eq3A_40 = arith.cmpi eq, %iota3A, %eq3A_39 : vector<512x640xi32>
    %eq3A_41 = vector.broadcast %broadcast_in_dim3A_38 : vector<512x1xi32> to vector<512x640xi32>
    %eq3A_42 = arith.cmpi eq, %iota3A, %eq3A_41 : vector<512x640xi32>
    %or3A = arith.ori %eq3A_40, %eq3A_42 : vector<512x640xi1>
    %convert_element_type3A_43 = arith.extui %or3A : vector<512x640xi1> to vector<512x640xi32>
    %convert_element_type3A_44 = arith.sitofp %convert_element_type3A_43 : vector<512x640xi32> to vector<512x640xf32>
    %get3A_45 = arith.constant 0 : index
    %get3A_46 = arith.constant 0 : index
    %get3A_47 = vector.load %arg6[%get3A_45, %get3A_46] : memref<1x640xf32, #tpu.memory_space<vmem>>, vector<1x640xf32>
    %broadcast_in_dim3A_48 = arith.constant 1.000000e+00 : f32
    %broadcast_in_dim3A_49 = vector.broadcast %broadcast_in_dim3A_48 : f32 to vector<1x512xf32>
    %dot_general3A_50 = arith.constant dense<0.000000e+00> : vector<1x640xf32>
    %dot_general3A_51 = tpu.matmul %broadcast_in_dim3A_49, %convert_element_type3A_44, %dot_general3A_50 {dimension_numbers = #tpu.dot_dimension_numbers<[1], [0], [0], [1], [0, 0, 1, 1], [], []>, transpose_lhs_hint = false} : vector<1x512xf32>, vector<512x640xf32>, vector<1x640xf32> -> vector<1x640xf32>
    %add3A_52 = arith.addf %get3A_47, %dot_general3A_51 : vector<1x640xf32>
    %swap3A = arith.constant 0 : index
    %swap3A_53 = arith.constant 0 : index
    %swap3A_54 = vector.load %arg6[%swap3A, %swap3A_53] : memref<1x640xf32, #tpu.memory_space<vmem>>, vector<1x640xf32>
    tpu.vector_store %arg6[%swap3A, %swap3A_53], %add3A_52 {strides = array<i32>} : memref<1x640xf32, #tpu.memory_space<vmem>>, vector<1x640xf32>,
    %concatenate3A = tpu.concatenate %broadcast_in_dim3A_23, %broadcast_in_dim3A_38 in 1 : vector<512x1xi32>, vector<512x1xi32> -> vector<512x2xi32>
    %transpose3A = tpu.transpose %concatenate3A, [1, 0] : vector<512x2xi32> -> vector<2x512xi32>
    %slice3A = vector.extract_strided_slice %transpose3A {offsets = [0, 0], sizes = [1, 128], strides = [1, 1]} : vector<2x512xi32> to vector<1x128xi32>
    %slice3A_55 = vector.extract_strided_slice %transpose3A {offsets = [0, 128], sizes = [1, 128], strides = [1, 1]} : vector<2x512xi32> to vector<1x128xi32>
    %slice3A_56 = vector.extract_strided_slice %transpose3A {offsets = [0, 256], sizes = [1, 128], strides = [1, 1]} : vector<2x512xi32> to vector<1x128xi32>
    %slice3A_57 = vector.extract_strided_slice %transpose3A {offsets = [0, 384], sizes = [1, 128], strides = [1, 1]} : vector<2x512xi32> to vector<1x128xi32>
    %slice3A_58 = vector.extract_strided_slice %transpose3A {offsets = [1, 0], sizes = [1, 128], strides = [1, 1]} : vector<2x512xi32> to vector<1x128xi32>
    %slice3A_59 = vector.extract_strided_slice %transpose3A {offsets = [1, 128], sizes = [1, 128], strides = [1, 1]} : vector<2x512xi32> to vector<1x128xi32>
    %slice3A_60 = vector.extract_strided_slice %transpose3A {offsets = [1, 256], sizes = [1, 128], strides = [1, 1]} : vector<2x512xi32> to vector<1x128xi32>
    %slice3A_61 = vector.extract_strided_slice %transpose3A {offsets = [1, 384], sizes = [1, 128], strides = [1, 1]} : vector<2x512xi32> to vector<1x128xi32>
    %concatenate3A_62 = tpu.concatenate %slice3A, %slice3A_55, %slice3A_56, %slice3A_57, %slice3A_58, %slice3A_59, %slice3A_60, %slice3A_61 in 0 : vector<1x128xi32>, vector<1x128xi32>, vector<1x128xi32>, vector<1x128xi32>, vector<1x128xi32>, vector<1x128xi32>, vector<1x128xi32>, vector<1x128xi32> -> vector<8x128xi32>
    %swap3A_63 = arith.constant 0 : index
    %swap3A_64 = arith.constant 0 : index
    %swap3A_65 = vector.load %arg4[%swap3A_63, %swap3A_64] : memref<8x128xi32, #tpu.memory_space<vmem>>, vector<8x128xi32>
    tpu.vector_store %arg4[%swap3A_63, %swap3A_64], %concatenate3A_62 {strides = array<i32>} : memref<8x128xi32, #tpu.memory_space<vmem>>, vector<8x128xi32>,
    %eq3A_66 = arith.constant 7 : i32
    %eq3A_67 = arith.cmpi eq, %arg0, %eq3A_66 : i32
    %convert_element_type3A_68 = arith.extui %eq3A_67 : i1 to i32
    %cond3A_69 = arith.constant 0 : i32
    %cond3A_70 = arith.cmpi ne, %convert_element_type3A_68, %cond3A_69 : i32
    scf.if %cond3A_70 {
      %get3A_71 = arith.constant 0 : index
      %get3A_72 = arith.constant 0 : index
      %get3A_73 = vector.load %arg6[%get3A_71, %get3A_72] : memref<1x640xf32, #tpu.memory_space<vmem>>, vector<1x640xf32>
      %mul3A = arith.constant 2.44140625E-4 : f32
      %mul3A_74 = vector.broadcast %mul3A : f32 to vector<1x640xf32>
      %mul3A_75 = arith.mulf %get3A_73, %mul3A_74 : vector<1x640xf32>
      %add3A_76 = arith.constant 1.000000e-07 : f32
      %add3A_77 = vector.broadcast %add3A_76 : f32 to vector<1x640xf32>
      %add3A_78 = arith.addf %mul3A_75, %add3A_77 : vector<1x640xf32>
      %log3A = math.log %add3A_78 : vector<1x640xf32>
      %mul3A_79 = arith.mulf %mul3A_75, %log3A : vector<1x640xf32>
      %slice3A_80 = vector.extract_strided_slice %mul3A_79 {offsets = [0, 0], sizes = [1, 320], strides = [1, 1]} : vector<1x640xf32> to vector<1x320xf32>
      %reduce_sum3A = vector.shape_cast %slice3A_80 : vector<1x320xf32> to vector<1x1x320xf32>
      %reduce_sum3A_81 = arith.constant dense<0.000000e+00> : vector<1xf32>
      %reduce_sum3A_82 = vector.multi_reduction <add>, %reduce_sum3A, %reduce_sum3A_81 [1, 2] : vector<1x1x320xf32> to vector<1xf32>
      %reduce_sum3A_83 = vector.shape_cast %reduce_sum3A_82 : vector<1xf32> to vector<1x1x1xf32>
      %reduce_sum3A_84 = vector.extract %reduce_sum3A_83[0, 0, 0] : f32 from vector<1x1x1xf32>
      %slice3A_85 = vector.extract_strided_slice %mul3A_79 {offsets = [0, 320], sizes = [1, 320], strides = [1, 1]} : vector<1x640xf32> to vector<1x320xf32>
      %reduce_sum3A_86 = vector.shape_cast %slice3A_85 : vector<1x320xf32> to vector<1x1x320xf32>
      %reduce_sum3A_87 = arith.constant dense<0.000000e+00> : vector<1xf32>
      %reduce_sum3A_88 = vector.multi_reduction <add>, %reduce_sum3A_86, %reduce_sum3A_87 [1, 2] : vector<1x1x320xf32> to vector<1xf32>
      %reduce_sum3A_89 = vector.shape_cast %reduce_sum3A_88 : vector<1xf32> to vector<1x1x1xf32>
      %reduce_sum3A_90 = vector.extract %reduce_sum3A_89[0, 0, 0] : f32 from vector<1x1x1xf32>
      %neg3A = arith.constant 0.000000e+00 : f32
      %neg3A_91 = arith.subf %neg3A, %reduce_sum3A_84 : f32
      %exp3A = math.exp %neg3A_91 : f32
      %neg3A_92 = arith.constant 0.000000e+00 : f32
      %neg3A_93 = arith.subf %neg3A_92, %reduce_sum3A_90 : f32
      %exp3A_94 = math.exp %neg3A_93 : f32
      %add3A_95 = arith.addf %exp3A, %exp3A_94 : f32
      %broadcast_in_dim3A_96 = vector.broadcast %add3A_95 : f32 to vector<1x1xf32>
      %swap3A_97 = arith.constant 0 : index
      %swap3A_98 = arith.constant 0 : index
      %swap3A_99 = vector.load %arg5[%swap3A_97, %swap3A_98] : memref<1x1xf32, #tpu.memory_space<vmem>>, vector<1x1xf32>
      tpu.vector_store %arg5[%swap3A_97, %swap3A_98], %broadcast_in_dim3A_96 {strides = array<i32>} : memref<1x1xf32, #tpu.memory_space<vmem>>, vector<1x1xf32>,
    } else {
    }
    return
  }
  func.func @transform_0(%arg0: i32) -> (i32, i32, i32) {
    %jit3A = arith.constant 2 : i32
    %div3A = arith.divsi %arg0, %jit3A : i32
    %sign3A = arith.constant 0 : i32
    %sign3A_0 = arith.cmpi sgt, %arg0, %sign3A : i32
    %sign3A_1 = arith.extui %sign3A_0 : i1 to i32
    %sign3A_2 = arith.constant 0 : i32
    %sign3A_3 = arith.cmpi slt, %arg0, %sign3A_2 : i32
    %sign3A_4 = arith.extui %sign3A_3 : i1 to i32
    %sign3A_5 = arith.subi %sign3A_1, %sign3A_4 : i32
    %sign3A_6 = arith.constant 0 : i32
    %sign3A_7 = arith.cmpi sgt, %jit3A, %sign3A_6 : i32
    %sign3A_8 = arith.extui %sign3A_7 : i1 to i32
    %sign3A_9 = arith.constant 0 : i32
    %sign3A_10 = arith.cmpi slt, %jit3A, %sign3A_9 : i32
    %sign3A_11 = arith.extui %sign3A_10 : i1 to i32
    %sign3A_12 = arith.subi %sign3A_8, %sign3A_11 : i32
    %ne3A = arith.cmpi ne, %sign3A_5, %sign3A_12 : i32
    %rem3A = arith.remsi %arg0, %jit3A : i32
    %ne3A_13 = arith.constant 0 : i32
    %ne3A_14 = arith.cmpi ne, %rem3A, %ne3A_13 : i32
    %and3A = arith.andi %ne3A, %ne3A_14 : i1
    %sub3A = arith.constant 1 : i32
    %sub3A_15 = arith.subi %div3A, %sub3A : i32
    %select_n3A = arith.select %and3A, %sub3A_15, %div3A : i32
    %jit3A_16 = arith.constant 2 : i32
    %eq3A = arith.constant 0 : i32
    %eq3A_17 = arith.cmpi eq, %jit3A_16, %eq3A : i32
    %jit3A_18 = arith.constant 1 : i32
    %select_n3A_19 = arith.select %eq3A_17, %jit3A_18, %jit3A_16 : i32
    %rem3A_20 = arith.remsi %arg0, %select_n3A_19 : i32
    %ne3A_21 = arith.constant 0 : i32
    %ne3A_22 = arith.cmpi ne, %rem3A_20, %ne3A_21 : i32
    %lt3A = arith.constant 0 : i32
    %lt3A_23 = arith.cmpi slt, %rem3A_20, %lt3A : i32
    %lt3A_24 = arith.constant 0 : i32
    %lt3A_25 = arith.cmpi slt, %select_n3A_19, %lt3A_24 : i32
    %ne3A_26 = arith.xori %lt3A_23, %lt3A_25 : i1
    %and3A_27 = arith.andi %ne3A_26, %ne3A_22 : i1
    %add3A = arith.addi %rem3A_20, %select_n3A_19 : i32
    %select_n3A_28 = arith.select %and3A_27, %add3A, %rem3A_20 : i32
    %c0_i32 = arith.constant 0 : i32
    %c0_i32_29 = arith.constant 0 : i32
    return %select_n3A, %select_n3A_28, %c0_i32 : i32, i32, i32
  }
  func.func @transform_1(%arg0: i32) -> (i32, i32) {
    %c0_i32 = arith.constant 0 : i32
    %c0_i32_0 = arith.constant 0 : i32
    %c0_i32_1 = arith.constant 0 : i32
    return %c0_i32, %c0_i32_0 : i32, i32
  }
  func.func @transform_2(%arg0: i32) -> i32 {
    %c0_i32 = arith.constant 0 : i32
    %c0_i32_0 = arith.constant 0 : i32
    return %c0_i32 : i32
  }
  func.func @transform_3(%arg0: i32) -> (i32, i32) {
    %c0_i32 = arith.constant 0 : i32
    %c0_i32_0 = arith.constant 0 : i32
    return %arg0, %c0_i32 : i32, i32
  }
  func.func @transform_4(%arg0: i32) -> (i32, i32) {
    %c0_i32 = arith.constant 0 : i32
    %c0_i32_0 = arith.constant 0 : i32
    %c0_i32_1 = arith.constant 0 : i32
    return %c0_i32, %c0_i32_0 : i32, i32
  }
}

</mosaic_0001>

<sc_bundles>
// kernel: kernel.4.cloned.1.call-start
scs
__scs_entry_jumppad:
0x0: {  	(pc) =	sbr.rel $0x88, $3  }
0x1: {  	(tag) =	ssettag $0x0;
	lr =	simm.s32 $0x1  }
0x2: {  	[smem:$0x3F9D] =	sst lr;
	_ =	strace $0xD0000000  }
0x3: {  	_ = 	snop  }
0x4: {  	_ = 	snop  }
0x5: {  	_ = 	snop  }
0x6: {  	_ = 	snop  }
0x7: {  	_ = 	snop  }
__scs_overlays_trampoline_lowered:
0x8: {  	[smem:$0x3FAC] =	sst s0  }
0x9: {  	[smem:$0x3FAD] =	sst s1  }
0xa: {  	[smem:$0x3FAE] =	sst s2  }
0xb: {  	[smem:$0x3FAF] =	sst s3  }
0xc: {  	[smem:$0x3FB0] =	sst s4  }
0xd: {  	[smem:$0x3FB1] =	sst s5  }
0xe: {  	[smem:$0x3FB2] =	sst s6  }
0xf: {  	[smem:$0x3FB3] =	sst s7  }
0x10: {  	[smem:$0x3FB4] =	sst s8  }
0x11: {  	[smem:$0x3FB5] =	sst s9;
	s0 =	simm.s32 @!p0 $0x0  }
0x12: {  	s1 =	sld [smem:$0x3F9B];
	s0 =	simm.s32 @p0 $0x1  }
0x13: {  	[smem:$0x3FB6] =	sst s0;
	s0 =	simm.s32 @!p1 $0x0  }
0x14: {  	s2 =	sld [smem:$0x3F9A];
	s0 =	simm.s32 @p1 $0x1  }
0x15: {  	[smem:$0x3FB7] =	sst s0;
	s0 =	simm.s32 @!p2 $0x0  }
0x16: {  	s3 =	sld [smem:$0x3FDB];
	s0 =	simm.s32 @p2 $0x1  }
0x17: {  	s4 =	simm.s32 $0x1BF5;
	[smem:$0x3FB9] =	sst s0  }
0x18: {  	s0 =	sld [smem:$0x3F9C];
	_ =	swait.ge [sflag:s4], $0x0  }
0x19: {  	s7 =	sld [smem:$0x3F9D]  }
0x1a: {  	s8 =	sadd.s32 $0xFFFFE003, lr  }
0x1b: {  	s9 =	sadd.s32 $0xFFFFFEF7, lr;
	s5 =	simm.s32 $0xFFFFFFFF;
	p2 =	slt.u32 s8, $0xFFFFF086  }
0x1c: {  	p1 =	slt.u32 s9, $0xF7A;
	s5 =	simm.s32 @!p2 $0x0  }
0x1d: {  	s5 =	simm.s32 @p1 $0x1;
	p0 =	seq.s32 s7, s2  }
0x1e: {  	s7 =	smul.u32 @!p0 $0xF7A, s2;
	p2 =	seq.s32 @!p0 s5, $0x0  }
0x1f: {  	s9 =	smul.u32 $0xF7A, s1;
	s8 =	simm.s32 @!p0 $0x1BF5;
	p2 =	por !p2, p0  }
0x20: {  	[sflag:s8] =	ssyncset.s32 @!p0 $0xFFFFF086;
	s6 =	sadd.s32 @!p0 s3, s7;
	s7 =	simm.s32 @!p0 $0x108  }
0x21: {  	s3 =	sadd.s32 s3, s9;
	s6 =	sadd.s32 @!p0 $0x88, s6;
	s7 =	simm.s32 @p2 $0x1082  }
0x22: {  	[simem:s7], [sflag:s8] =	dma.local @!p0 [hbm:s6], $0xF7A  }
0x23: {  	s9 =	sor.u32 $0xD0000000, s2;
	s6 =	simm.s32 $0x108;
	_ =	swait.ge @!p0 [sflag:s8], $0x0  }
0x24: {  	s3 =	sadd.s32 $0x88, s3;
	s6 =	simm.s32 @!p1 $0x1082;
	[sflag:s4] =	ssyncset.s32 $0xFFFFF086  }
0x25: {  	[simem:s6], [sflag:s4] =	dma.local [hbm:s3], $0xF7A  }
0x26: {  	[smem:$0x3F9D] =	sst s1;
	(tag) =	ssettag s2;
	_ =	strace s9  }
0x27: {  	s1 =	sld [smem:$0x3FAD]  }
0x28: {  	s2 =	sld [smem:$0x3FAE]  }
0x29: {  	s4 =	sld [smem:$0x3FB0]  }
0x2a: {  	p0 =	seq.s32 s5, $0x0;
	s5 =	sld [smem:$0x3FB1]  }
0x2b: {  	s6 =	sld [smem:$0x3FB2]  }
0x2c: {  	s7 =	sld [smem:$0x3FB3]  }
0x2d: {  	s3 =	simm.s32 $0x108;
	s8 =	sld [smem:$0x3FB4]  }
0x2e: {  	s3 =	simm.s32 @!p0 $0x1082;
	s9 =	sld [smem:$0x3FB5]  }
0x2f: {  	lr =	sadd.s32 s0, s3;
	s0 =	sld [smem:$0x3FAC]  }
0x30: {  	s3 =	sld [smem:$0x3FAF]  }
0x31: {  	[smem:$0x3FB8] =	sst s10  }
0x32: {  	s10 =	sld [smem:$0x3FB6];
	_ =	sdelay $0x3  }
0x33: {  	p0 =	seq.s32 s10, $0x1;
	s10 =	sld [smem:$0x3FB8];
	_ =	sdelay $0x3  }
0x34: {  	[smem:$0x3FB8] =	sst s10  }
0x35: {  	s10 =	sld [smem:$0x3FB7];
	_ =	sdelay $0x3  }
0x36: {  	p1 =	seq.s32 s10, $0x1;
	s10 =	sld [smem:$0x3FB8];
	_ =	sdelay $0x3  }
0x37: {  	[smem:$0x3FB8] =	sst s10  }
0x38: {  	s10 =	sld [smem:$0x3FB9]  }
0x39: {  	_ = 	snop;
	(pc) =	sbr.ind lr, $3  }
0x3a: {  	_ = 	snop  }
0x3b: {  	_ = 	snop  }
0x3c: {  	p2 =	seq.s32 s10, $0x1;
	s10 =	sld [smem:$0x3FB8]  }
0x3d: {  	_ =	shalt  }
0x3e: {  	_ =	shalt  }
0x3f: {  	_ =	shalt  }
0x40: {  	_ =	shalt  }
0x41: {  	_ =	shalt  }
0x42: {  	_ =	shalt  }
0x43: {  	_ =	shalt  }
0x44: {  	_ =	shalt  }
0x45: {  	_ =	shalt  }
0x46: {  	_ =	shalt  }
0x47: {  	_ =	shalt  }
0x48: {  	_ =	shalt  }
0x49: {  	_ =	shalt  }
0x4a: {  	_ =	shalt  }
0x4b: {  	_ =	shalt  }
0x4c: {  	_ =	shalt  }
0x4d: {  	_ =	shalt  }
0x4e: {  	_ =	shalt  }
0x4f: {  	_ =	shalt  }
0x50: {  	_ =	shalt  }
0x51: {  	_ =	shalt  }
0x52: {  	_ =	shalt  }
0x53: {  	_ =	shalt  }
0x54: {  	_ =	shalt  }
0x55: {  	_ =	shalt  }
0x56: {  	_ =	shalt  }
0x57: {  	_ =	shalt  }
0x58: {  	_ =	shalt  }
0x59: {  	_ =	shalt  }
0x5a: {  	_ =	shalt  }
0x5b: {  	_ =	shalt  }
0x5c: {  	_ =	shalt  }
0x5d: {  	_ =	shalt  }
0x5e: {  	_ =	shalt  }
0x5f: {  	_ =	shalt  }
0x60: {  	_ =	shalt  }
0x61: {  	_ =	shalt  }
0x62: {  	_ =	shalt  }
0x63: {  	_ =	shalt  }
0x64: {  	_ =	shalt  }
0x65: {  	_ =	shalt  }
0x66: {  	_ =	shalt  }
0x67: {  	_ =	shalt  }
0x68: {  	_ =	shalt  }
0x69: {  	_ =	shalt  }
0x6a: {  	_ =	shalt  }
0x6b: {  	_ =	shalt  }
0x6c: {  	_ =	shalt  }
0x6d: {  	_ =	shalt  }
0x6e: {  	_ =	shalt  }
0x6f: {  	_ =	shalt  }
0x70: {  	_ =	shalt  }
0x71: {  	_ =	shalt  }
0x72: {  	_ =	shalt  }
0x73: {  	_ =	shalt  }
0x74: {  	_ =	shalt  }
0x75: {  	_ =	shalt  }
0x76: {  	_ =	shalt  }
0x77: {  	_ =	shalt  }
0x78: {  	_ =	shalt  }
0x79: {  	_ =	shalt  }
0x7a: {  	_ =	shalt  }
0x7b: {  	_ =	shalt  }
0x7c: {  	_ =	shalt  }
0x7d: {  	_ =	shalt  }
0x7e: {  	_ =	shalt  }
0x7f: {  	_ =	shalt  }
0x80: {  	_ =	shalt  }
0x81: {  	_ =	shalt  }
0x82: {  	_ =	shalt  }
0x83: {  	_ =	shalt  }
0x84: {  	_ =	shalt  }
0x85: {  	_ =	shalt  }
0x86: {  	_ =	shalt  }
0x87: {  	_ =	shalt  }
.Lfunc_end0:
.L_simem_size_0:
called_computation_lowered:
.L_overlay_start_0:
0x88: {  	s2 =	sld [smem:$0x3FD9]  }
0x89: {  	s3 =	sld [smem:$0x3FFE];
	_ =	sdelay $0x1  }
0x8a: {  	s1 =	srdreg.scid  }
0x8b: {  	s0 =	sand.u32 $0x1, s1  }
0x8c: {  	s14 =	sshll.u32 s0, $0xA;
	s2 =	sadd.s32 s3, s2  }
0x8d: {  	s2 =	sadd.s32 s2, s14  }
0x8e: {  	[smem:$0x3FC4] =	sst s2  }
0x8f: {  	_ = 	snop  }
0x90: {  	s2 =	sld [smem:$0x3FD0];
	_ =	sdelay $0x2  }
0x91: {  	s4 =	simm.s32 $0xA;
	s5 =	simm.s32 $0x10;
	s15 =	sld [smem:$0x3FC8]  }
0x92: {  	[smem:s5], [sflag:s4] =	dma.local [hbm:s2], $0x1  }
0x93: {  	_ =	swait.eq [sflag:s4], $0x1  }
0x94: {  	[sflag:s4] =	ssyncset.done $0x0  }
0x95: {  	[sflag:s4] =	ssyncadd.s32 $0xFFFFFFFF  }
0x96: {  	s16 =	sld [smem:$0x10];
	(tm) =	ssettm $0x1  }
0x97: {  	s17 =	sld [smem:$0x3FFB];
	_ =	sdelay $0x3  }
0x98: {  	_ =	strace s17  }
0x99: {  	s4 =	sld [smem:$0x3FFC];
	_ =	sdelay $0x3  }
0x9a: {  	_ =	strace s4  }
0x9b: {  	s4 =	sld [smem:$0x3FFD];
	_ =	sdelay $0x3  }
0x9c: {  	_ =	strace s4  }
0x9d: {  	_ =	strace $0x8FFFFFFF  }
0x9e: {  	s18 =	sld [smem:$0x3FDB];
	_ =	sdelay $0x1  }
0x9f: {  	s19 =	simm.s32 $_scs_section_size  }
0xa0: {  	s6 =	simm.s32 $_size__tile_overlayer_lowered;
	s7 =	simm.s32 $_tile_overlayer_lowered  }
0xa1: {  	s22 =	simm.s32 $0x1BFF;
	s21 =	sshll.u32 s7, $0x1;
	s4 =	sadd.s32 s19, s18  }
0xa2: {  	s8 =	simm.s32 $0x0;
	s20 =	sshll.u32 s6, $0x1;
	s6 =	sadd.s32 s21, s4  }
0xa3: {  	[timem:s8], [sflag:s22] =	dma.local [hbm:s6], s20  }
0xa4: {  	_ =	swait.ge [sflag:s22], s20  }
0xa5: {  	s5 =	ssub.s32 $0x0, s20;
	[sflag:s22] =	ssyncset.done $0x0  }
0xa6: {  	[sflag:s22] =	ssyncadd.s32 s5;
	_ =	sdelay $0x1  }
0xa7: {  	s23 =	simm.s32 $0x1B8B  }
0xa8: {  	_ =	swait.ge [sflag:s23], $0x1  }
0xa9: {  	[sflag:s23] =	ssyncset.done $0x0  }
0xaa: {  	s25 =	simm.s32 $0x1B8E;
	s24 =	sld [smem:$0x3FFE];
	[sflag:s23] =	ssyncadd.s32 $0xFFFFFFFF  }
0xab: {  	s26 =	simm.s32 $execute0_lowered;
	[smem:$0x3FD2] =	sst s25  }
0xac: {  	s6 =	sshll.u32 s26, $0x1;
	_ =	strace $0x80000046;
	[dreg:$0x1] =	wrdreg $0xFFFFFFFF  }
0xad: {  	s28 =	simm.s32 $_size_execute0_lowered;
	s4 =	sadd.s32 s4, s6;
	[dreg:$0x0] =	wrdreg $0x0  }
0xae: {  	s6 =	sshll.u32 s28, $0x1;
	[dreg:$0x2] =	wrdreg s4  }
0xaf: {  	[dreg:$0x3] =	wrdreg s6  }
0xb0: {  	[dreg:$0x4] =	wrdreg $0xC0  }
0xb1: {  	_ =	task [dreg:s8], $0x5FFFF  }
0xb2: {  	[dreg:$0x1] =	wrdreg $0xFFFFFFFF  }
0xb3: {  	[dreg:$0x0] =	wrdreg $0x60  }
0xb4: {  	[dreg:$0x2] =	wrdreg s15  }
0xb5: {  	[dreg:$0x3] =	wrdreg s24  }
0xb6: {  	[dreg:$0x4] =	wrdreg s16  }
0xb7: {  	[dreg:$0x5] =	wrdreg $0x9  }
0xb8: {  	_ =	task.clear_ibuf [dreg:s8], $0x6FFFF;
	_ =	strace $0x90000046  }
0xb9: {  	s29 =	simm.s32 $0x9;
	_ =	strace $0x80000048  }
0xba: {  	_ =	swait.ge [sflag:s29], $0x1  }
0xbb: {  	[sflag:s29] =	ssyncadd.s32 $0xFFFFFFFF  }
0xbc: {  	_ =	strace $0x90000048  }
0xbd: {  	_ =	sfence  }
0xbe: {  	s30 =	sld [smem:$0x0];
	_ =	sdelay $0x2  }
0xbf: {  	s31 =	sshll.u32 s1, $0xD;
	s1 =	sshrl.u32 s1, $0x2  }
0xc0: {  	s3 =	sand.u32 $0x4000, s31;
	s1 =	sadd.s32 s1, s30  }
0xc1: {  	s0 =	sor.u32 s3, s0;
	s1 =	sshll.u32 s1, $0x11  }
0xc2: {  	s0 =	sor.u32 s1, s0  }
0xc3: {  	s0 =	sadd.s32 $0x8F2B, s0  }
0xc4: {  	[sflag:s0] =	ssyncadd.remote.s32 $0x1  }
0xc5: {  	_ =	sfence.sel $0xFFFF  }
0xc6: {  	[dreg:$0x0] =	wrdreg $0xFFFFFFFF;
	(pc) =	sbr.abs _section_cstart, $3  }
0xc7: {  	[dreg:$0x1] =	wrdreg $0xFFFFFFFF  }
0xc8: {  	_ =	task.clear_ibuf [dreg:s8], $0x2FFFF;
	_ =	strace $0x9FFFFFFF  }
0xc9: {  	(tm) =	ssettm $0x7FFFFFFF  }
tec
execute0_lowered:
.L_overlay_start_1:
0x0: {  	(tag) =	ssettag $0x1  }
0x1: {  	s1 =	rddreg [dreg:$0x0]  }
0x2: {  	s4 =	rddreg [dreg:$0x1];
	s5 =	srdreg.scid  }
0x3: {  	s10 =	rddreg [dreg:$0x2];
	s2 =	stileid.u32;
	s13 =	sand.u32 $0x1, s5  }
0x4: {  	s0 =	rddreg [dreg:$0x3];
	s7 =	sand.u32 $0x1, s2;
	s6 =	sshll.u32 s13, $0x5  }
0x5: {  	s29 =	sshrl.u32 s2, $0x1;
	s8 =	sshll.u32 s7, $0x6;
	s4 =	sadd.s32 s6, s4  }
0x6: {  	s3 =	simm.s32 $0x0;
	s9 =	sshll.u32 s29, $0x7;
	s4 =	sadd.s32 s8, s4  }
0x7: {  	[smem:$0x7FF] =	sst s3;
	s30 =	sshll.u32 s5, $0x10;
	s4 =	sadd.s32 s9, s4  }
0x8: {  	s5 =	simm.s32 $0x3;
	_ =	strace $0x80000047;
	s4 =	sadd.s32 $0xE00, s4  }
0x9: {  	[tilespmem:s3], [sflag:$0x3] =	stream.linear.gather [hbm4b:s4+s3], $0x100, $0x38;
	[tilespmem:$0x8100] =	vst v63  }
0xa: {  	s31 =	sshll.u32 s7, $0xA;
	s7 =	simm.s32 $0x100;
	_ =	swait.ge [sflag:s5], $0x100  }
0xb: {  	s6 =	sshll.u32 s29, $0x11;
	s8 =	sand.u32 $0x10000, s30;
	[sflag:s5] =	ssyncset.done $0x0  }
0xc: {  	s8 =	sor.u32 s8, s6;
	s6 =	simm.s32 $0x80;
	[sflag:s5] =	ssyncadd.s32 $0xFFFFFF00  }
0xd: {  	[tilespmem:s7], [sflag:$0x1] =	stream.indirect.gather [hbm4b:s1+s6], $0x80, s3, s6, $0xb8;
	[tilespmem:$0x8100] =	vst v63  }
0xe: {  	s9 =	simm.s32 $0x1;
	s11 =	sor.u32 s31, s8;
	s8 =	simm.s32 $0x4100  }
0xf: {  	[tilespmem:s8], [sflag:$0x1] =	stream.indirect.gather [hbm4b:s1+s6], $0x80, s6, s6, $0xb8;
	[tilespmem:$0x8100] =	vst v63  }
0x10: {  	s12 =	simm.s32 $0x800;
	s15 =	ssub.s32 $0x2, s13;
	_ =	swait.ge [sflag:s9], $0x4000  }
0x11: {  	s16 =	sshrl.u32 s15, $0x1;
	s11 =	sshrl.u32 s11, $0x3;
	[sflag:s9] =	ssyncset.done $0x0  }
0x12: {  	s10 =	sadd.s32 s10, s11;
	s11 =	simm.s32 $0x400;
	[sflag:s9] =	ssyncadd.s32 $0xFFFFC000  }
0x13: {  	[hbm4b:s10+s11] =	stream.strided.scatter [tilespmem:s7], [sflag:$0x2], $0x4000, s12, s11, $0x38;
	[tilespmem:$0x8100] =	vst v63  }
0x14: {  	s15 =	ssub.s32 s15, s16;
	_ =	swait.ge [sflag:s9], $0x4000  }
0x15: {  	s13 =	simm.s32 $0x2;
	s15 =	smax.u32 s15, $0x1;
	[sflag:s9] =	ssyncset.done $0x0  }
0x16: {  	p0 =	sne.s32 s15, $0x1;
	s14 =	sadd.s32 $0x1000, s10;
	[sflag:s9] =	ssyncadd.s32 $0xFFFFC000  }
0x17: {  	[hbm4b:s14+s11] =	stream.strided.scatter [tilespmem:s8], [sflag:$0x2], $0x4000, s12, s11, $0x38;
	[tilespmem:$0x8100] =	vst v63  }
.Ltmp0:
0x18: {  	_ =	swait.ge [sflag:s13], $0x4000;
	(pc) =	sbr.rel @!p0 .LBB2_2-.Ltmp0, $4  }
0x19: {  	[sflag:s13] =	ssyncset.done $0x0  }
0x1a: {  	[sflag:s13] =	ssyncadd.s32 $0xFFFFC000  }
0x1b: {  	_ =	swait.ge [sflag:s13], $0x4000  }
0x1c: {  	s15 =	sadd.s32 $0xFFFFFFFF, s15;
	[sflag:s13] =	ssyncset.done $0x0  }
.LBB2_1:
0x1d: {  	p0 =	sne.s32 s15, $0x1;
	s15 =	sadd.s32 $0xFFFFFFFF, s15;
	[sflag:s13] =	ssyncadd.s32 $0xFFFFC000  }
0x1e: {  	[tilespmem:s3], [sflag:$0x3] =	stream.linear.gather [hbm4b:s4+s3], $0x100, $0x38;
	[tilespmem:$0x8100] =	vst v63  }
0x1f: {  	_ =	swait.ge [sflag:s5], $0x100  }
0x20: {  	[sflag:s5] =	ssyncset.done $0x0  }
0x21: {  	[sflag:s5] =	ssyncadd.s32 $0xFFFFFF00  }
0x22: {  	[tilespmem:s7], [sflag:$0x1] =	stream.indirect.gather [hbm4b:s1+s6], $0x80, s3, s6, $0xb8;
	[tilespmem:$0x8100] =	vst v63  }
0x23: {  	_ = 	snop  }
0x24: {  	[tilespmem:s8], [sflag:$0x1] =	stream.indirect.gather [hbm4b:s1+s6], $0x80, s6, s6, $0xb8;
	[tilespmem:$0x8100] =	vst v63  }
0x25: {  	_ =	swait.ge [sflag:s9], $0x4000  }
0x26: {  	[sflag:s9] =	ssyncset.done $0x0  }
0x27: {  	[sflag:s9] =	ssyncadd.s32 $0xFFFFC000  }
0x28: {  	[hbm4b:s10+s11] =	stream.strided.scatter [tilespmem:s7], [sflag:$0x2], $0x4000, s12, s11, $0x38;
	[tilespmem:$0x8100] =	vst v63  }
0x29: {  	_ =	swait.ge [sflag:s9], $0x4000  }
0x2a: {  	[sflag:s9] =	ssyncset.done $0x0  }
0x2b: {  	[sflag:s9] =	ssyncadd.s32 $0xFFFFC000  }
0x2c: {  	[hbm4b:s14+s11] =	stream.strided.scatter [tilespmem:s8], [sflag:$0x2], $0x4000, s12, s11, $0x38;
	[tilespmem:$0x8100] =	vst v63  }
.Ltmp1:
0x2d: {  	_ =	swait.ge [sflag:s13], $0x4000;
	(pc) =	sbr.rel @p0 .LBB2_1-.Ltmp1, $4  }
0x2e: {  	[sflag:s13] =	ssyncset.done $0x0  }
0x2f: {  	[sflag:s13] =	ssyncadd.s32 $0xFFFFC000  }
0x30: {  	_ =	swait.ge [sflag:s13], $0x4000  }
0x31: {  	[sflag:s13] =	ssyncset.done $0x0  }
.LBB2_2:
0x32: {  	[sflag:s13] =	ssyncadd.s32 $0xFFFFC000  }
0x33: {  	_ =	sfence.sel $0x180000  }
0x34: {  	[bflag:$0x0] =	sbarrier.arrive $0xFFFF  }
0x35: {  	p0 =	sne.s32 s2, $0x0;
	_ =	strace $0x90000047  }
0x36: {  	s0 =	sadd.s32 @!p0 $0x100000, s0;
	[bflag:$0x2] =	sbarrier.arrive $0xFFFF  }
0x37: {  	[sflag:s0] =	ssyncadd.tile.s32 @!p0 $0x1;
	_ =	shalt  }
.Lfunc_end2:
_tile_overlayer_lowered:
.L_overlay_start_2:
0x38: {  	(tag) =	ssettag $0x2  }
0x39: {  	s0 =	rddreg [dreg:$0x0];
	s2 =	stileid.u32  }
0x3a: {  	s1 =	rddreg [dreg:$0x1];
	p0 =	sne.s32 s2, $0x0  }
0x3b: {  	s3 =	rddreg [dreg:$0x2];
	[bflag:$0x3] =	sbarrier.arrive $0xFFFF;
	s2 =	simm.s32 @!p0 $0x1C03  }
0x3c: {  	[timem:s3], [sflag:s2] =	dma.local @!p0 [hbm:s0], s1  }
0x3d: {  	s0 =	simm.s32 @!p0 $0x3  }
0x3e: {  	_ =	swait.ge @!p0 [sflag:s0], s1  }
0x3f: {  	s1 =	ssub.s32 @!p0 $0x0, s1;
	[sflag:s0] =	ssyncset.done @!p0 $0x0  }
0x40: {  	[sflag:s0] =	ssyncadd.s32 @!p0 s1  }
0x41: {  	[bflag:$0x3] =	sbarrier.arrive $0xFFFF  }
0x42: {  	_ =	shalt  }

</sc_bundles>
